<compile_context>
chip_gen: v7x
topology: tpu7x:2x2x1
jax: 0.10.2.dev20260603
libtpu: 0.0.44.dev20260713+nightly
codegen_flags: <defaults>
</compile_context>

<pallas_src>
import functools

import jax
import jax.numpy as jnp
from jax import lax
from jax.experimental import pallas as pl
from jax.experimental.pallas import tpu as pltpu
from jax.experimental.pallas import tpu_sc as plsc

_B = 16384
_NC = 1
_NS = 16
_NW = _NC * _NS
_PER_W = _B // _NW
_L = 16
_NVEC = _PER_W // _L


def _sc_body(idx_hbm, emb_hbm, scale_hbm, bias_hbm, out_hbm,
             idx_v, tab_v, out_v, sem_idx, sem_tab):
    wid = lax.axis_index("s") * _NC + lax.axis_index("c")
    base = wid * _PER_W

    half = _PER_W // 2
    idx_cp = pltpu.async_copy(idx_hbm.at[pl.ds(base, _PER_W)], idx_v, sem_idx)
    emb_cp = pltpu.async_copy(emb_hbm, tab_v.at[pl.ds(0, 10)], sem_tab)
    scl_cp = pltpu.async_copy(scale_hbm, tab_v.at[pl.ds(16, 1)], sem_tab)
    bia_cp = pltpu.async_copy(bias_hbm, tab_v.at[pl.ds(24, 1)], sem_tab)
    emb_cp.wait()
    scl_cp.wait()
    bia_cp.wait()

    zeros = jnp.zeros((_L,), jnp.int32)
    scale = jnp.take_along_axis(tab_v[pl.ds(16, _L)], zeros, axis=0)
    bias = jnp.take_along_axis(tab_v[pl.ds(24, _L)], zeros, axis=0)
    lut = tab_v[pl.ds(0, _L)] * scale + bias

    idx_cp.wait()

    @plsc.parallel_loop(0, half, _L, unroll=8)
    def _first(off):
        iv = idx_v[pl.ds(off, _L)]
        out_v[pl.ds(off, _L)] = jnp.take_along_axis(lut, iv, axis=0)

    out_cp0 = pltpu.async_copy(
        out_v.at[pl.ds(0, half)], out_hbm.at[pl.ds(base, half)], sem_idx)

    @plsc.parallel_loop(half, _PER_W, _L, unroll=8)
    def _second(off):
        iv = idx_v[pl.ds(off, _L)]
        out_v[pl.ds(off, _L)] = jnp.take_along_axis(lut, iv, axis=0)

    out_cp1 = pltpu.async_copy(
        out_v.at[pl.ds(half, half)], out_hbm.at[pl.ds(base + half, half)],
        sem_tab)
    out_cp0.wait()
    out_cp1.wait()


@jax.jit
def _run(idx, emb, scale, bias):
    mesh = plsc.VectorSubcoreMesh(
        core_axis_name="c", subcore_axis_name="s", num_cores=_NC)
    k = functools.partial(
        pl.kernel,
        out_type=jax.ShapeDtypeStruct((_B,), jnp.float32),
        mesh=mesh,
        scratch_types=[
            pltpu.VMEM((_PER_W,), jnp.int32),
            pltpu.VMEM((40,), jnp.float32),
            pltpu.VMEM((_PER_W,), jnp.float32),
            pltpu.SemaphoreType.DMA,
            pltpu.SemaphoreType.DMA,
        ],
    )(_sc_body)
    return k(idx, emb, scale, bias)


def kernel(inputs, embeddings, dense_kernel, dense_bias):
    idx = inputs.reshape(_B).astype(jnp.int32)
    out = _run(idx, embeddings.reshape(10), dense_kernel.reshape(1),
               dense_bias.reshape(1))
    return out.reshape(_B, 1, 1)

# --- scband reference (transcript-rebuilt; emitter-appended) ---
"""Pipeline reference for scband-my-model-87522843560342 (READ-ONLY COPY).

The authoritative reference and input builder live on the scoring server;
editing this copy changes nothing except your own understanding.
"""

import jax, jax.numpy as jnp
import numpy as np


def setup_inputs(seed: int = 0) -> dict:
    key = jax.random.key(seed)
    k_idx, k_emb, k_w, k_b = jax.random.split(key, 4)
    inputs = jax.random.randint(k_idx, (16384, 1), 0, 10, dtype=jnp.int64)
    # Embedding table: input_dim=10, output_dim=1 (uniform init like keras default)
    embeddings = jax.random.uniform(k_emb, (10, 1), dtype=jnp.float32, minval=-0.05, maxval=0.05)
    # Dense(1) applied on last dim (size 1): kernel (1,1), bias (1,)
    dense_kernel = jax.random.normal(k_w, (1, 1), dtype=jnp.float32) * 0.5
    dense_bias = jnp.zeros((1,), dtype=jnp.float32)
    return {"inputs": inputs, "embeddings": embeddings, "dense_kernel": dense_kernel, "dense_bias": dense_bias}


def reference(inputs, embeddings, dense_kernel, dense_bias):
    # Embedding lookup: [B, 1] -> [B, 1, 1]
    x = jnp.take(embeddings, inputs, axis=0)
    # Dense on last axis: [B, 1, 1] @ [1, 1] + [1]
    x = jnp.matmul(x, dense_kernel) + dense_bias
    return x

if __name__ == "__main__":
    import jax
    _d = setup_inputs()
    print(jax.jit(kernel)(*tuple(_d.values())))

</pallas_src>

<mosaic_0001>
#map = affine_map<(d0, d1) -> (0)>
module attributes {stable_mosaic.version = 14 : i64} {
  func.func @_sc_body(%arg0: i32, %arg1: i32, %arg2: memref<16384xi32, #tpu.memory_space<hbm>>, %arg3: memref<10xf32, #tpu.memory_space<hbm>>, %arg4: memref<1xf32, #tpu.memory_space<hbm>>, %arg5: memref<1xf32, #tpu.memory_space<hbm>>, %arg6: memref<16384xf32, #tpu.memory_space<hbm>>, %arg7: memref<1024xi32, #tpu.memory_space<vmem>>, %arg8: memref<40xf32, #tpu.memory_space<vmem>>, %arg9: memref<1024xf32, #tpu.memory_space<vmem>>, %arg10: memref<!tpu.dma_semaphore, #tpu.memory_space<semaphore_mem>>, %arg11: memref<!tpu.dma_semaphore, #tpu.memory_space<semaphore_mem>>) attributes {dimension_semantics = [#tpu.dimension_semantics<core_parallel>, #tpu.dimension_semantics<subcore_parallel>], iteration_bounds = array<i64: 1, 16>, scalar_prefetch = 0 : i64, scratch_operands = 5 : i64, tpu.core_type = #tpu.core_type<sc_vector_subcore>, window_params = [{transform_indices = #map}, {transform_indices = #map}, {transform_indices = #map}, {transform_indices = #map}, {transform_indices = #map}]} {
    %mul3A = arith.constant 1 : i32
    %mul3A_0 = arith.muli %arg1, %mul3A : i32
    %add3A = arith.addi %mul3A_0, %arg0 : i32
    %mul3A_1 = arith.constant 1024 : i32
    %mul3A_2 = arith.muli %add3A, %mul3A_1 : i32
    %dma_start3A = tpu.memref_slice %arg2[%mul3A_2] : memref<16384xi32, #tpu.memory_space<hbm>> -> memref<1024xi32, #tpu.memory_space<hbm>>
    %dma_start3A_3 = tpu.memref_slice %arg2[%mul3A_2] : memref<16384xi32, #tpu.memory_space<hbm>> -> memref<1024xi32, #tpu.memory_space<hbm>>
    tpu.enqueue_dma source(%dma_start3A_3 : memref<1024xi32, #tpu.memory_space<hbm>>) target(%arg7 : memref<1024xi32, #tpu.memory_space<vmem>>) target_semaphore(%arg10 : memref<!tpu.dma_semaphore, #tpu.memory_space<semaphore_mem>>)
    %dma_start3A_4 = arith.constant 0 : i32
    %dma_start3A_5 = tpu.memref_slice %arg8[%dma_start3A_4] : memref<40xf32, #tpu.memory_space<vmem>> -> memref<10xf32, #tpu.memory_space<vmem>>
    %dma_start3A_6 = arith.constant 0 : i32
    %dma_start3A_7 = tpu.memref_slice %arg8[%dma_start3A_6] : memref<40xf32, #tpu.memory_space<vmem>> -> memref<10xf32, #tpu.memory_space<vmem>>
    tpu.enqueue_dma source(%arg3 : memref<10xf32, #tpu.memory_space<hbm>>) target(%dma_start3A_7 : memref<10xf32, #tpu.memory_space<vmem>>) target_semaphore(%arg11 : memref<!tpu.dma_semaphore, #tpu.memory_space<semaphore_mem>>)
    %dma_start3A_8 = arith.constant 16 : i32
    %dma_start3A_9 = tpu.memref_slice %arg8[%dma_start3A_8] : memref<40xf32, #tpu.memory_space<vmem>> -> memref<1xf32, #tpu.memory_space<vmem>>
    %dma_start3A_10 = arith.constant 16 : i32
    %dma_start3A_11 = tpu.memref_slice %arg8[%dma_start3A_10] : memref<40xf32, #tpu.memory_space<vmem>> -> memref<1xf32, #tpu.memory_space<vmem>>
    tpu.enqueue_dma source(%arg4 : memref<1xf32, #tpu.memory_space<hbm>>) target(%dma_start3A_11 : memref<1xf32, #tpu.memory_space<vmem>>) target_semaphore(%arg11 : memref<!tpu.dma_semaphore, #tpu.memory_space<semaphore_mem>>)
    %dma_start3A_12 = arith.constant 24 : i32
    %dma_start3A_13 = tpu.memref_slice %arg8[%dma_start3A_12] : memref<40xf32, #tpu.memory_space<vmem>> -> memref<1xf32, #tpu.memory_space<vmem>>
    %dma_start3A_14 = arith.constant 24 : i32
    %dma_start3A_15 = tpu.memref_slice %arg8[%dma_start3A_14] : memref<40xf32, #tpu.memory_space<vmem>> -> memref<1xf32, #tpu.memory_space<vmem>>
    tpu.enqueue_dma source(%arg5 : memref<1xf32, #tpu.memory_space<hbm>>) target(%dma_start3A_15 : memref<1xf32, #tpu.memory_space<vmem>>) target_semaphore(%arg11 : memref<!tpu.dma_semaphore, #tpu.memory_space<semaphore_mem>>)
    %dma_wait3A = arith.constant 0 : i32
    %dma_wait3A_16 = tpu.memref_slice %arg8[%dma_wait3A] : memref<40xf32, #tpu.memory_space<vmem>> -> memref<10xf32, #tpu.memory_space<vmem>>
    %dma_wait3A_17 = arith.constant 0 : i32
    %dma_wait3A_18 = tpu.memref_slice %arg8[%dma_wait3A_17] : memref<40xf32, #tpu.memory_space<vmem>> -> memref<10xf32, #tpu.memory_space<vmem>>
    tpu.wait_dma2 semaphore(%arg11 : memref<!tpu.dma_semaphore, #tpu.memory_space<semaphore_mem>>) src(%arg3 : memref<10xf32, #tpu.memory_space<hbm>>) dst(%dma_wait3A_18 : memref<10xf32, #tpu.memory_space<vmem>>)
    %dma_wait3A_19 = arith.constant 16 : i32
    %dma_wait3A_20 = tpu.memref_slice %arg8[%dma_wait3A_19] : memref<40xf32, #tpu.memory_space<vmem>> -> memref<1xf32, #tpu.memory_space<vmem>>
    %dma_wait3A_21 = arith.constant 16 : i32
    %dma_wait3A_22 = tpu.memref_slice %arg8[%dma_wait3A_21] : memref<40xf32, #tpu.memory_space<vmem>> -> memref<1xf32, #tpu.memory_space<vmem>>
    tpu.wait_dma2 semaphore(%arg11 : memref<!tpu.dma_semaphore, #tpu.memory_space<semaphore_mem>>) src(%arg4 : memref<1xf32, #tpu.memory_space<hbm>>) dst(%dma_wait3A_22 : memref<1xf32, #tpu.memory_space<vmem>>)
    %dma_wait3A_23 = arith.constant 24 : i32
    %dma_wait3A_24 = tpu.memref_slice %arg8[%dma_wait3A_23] : memref<40xf32, #tpu.memory_space<vmem>> -> memref<1xf32, #tpu.memory_space<vmem>>
    %dma_wait3A_25 = arith.constant 24 : i32
    %dma_wait3A_26 = tpu.memref_slice %arg8[%dma_wait3A_25] : memref<40xf32, #tpu.memory_space<vmem>> -> memref<1xf32, #tpu.memory_space<vmem>>
    tpu.wait_dma2 semaphore(%arg11 : memref<!tpu.dma_semaphore, #tpu.memory_space<semaphore_mem>>) src(%arg5 : memref<1xf32, #tpu.memory_space<hbm>>) dst(%dma_wait3A_26 : memref<1xf32, #tpu.memory_space<vmem>>)
    %broadcast_in_dim3A = arith.constant 0 : i32
    %broadcast_in_dim3A_27 = vector.broadcast %broadcast_in_dim3A : i32 to vector<16xi32>
    %get3A = arith.constant 16 : index
    %get3A_28 = tpu.vector_load %arg8[%get3A] {strides = array<i32>} : memref<40xf32, #tpu.memory_space<vmem>>, vector<16xf32>,
    %get3A_29 = vector.shape_cast %get3A_28 : vector<16xf32> to vector<16xf32>
    %lt3A = arith.constant 0 : i32
    %lt3A_30 = vector.broadcast %lt3A : i32 to vector<16xi32>
    %lt3A_31 = arith.cmpi slt, %broadcast_in_dim3A_27, %lt3A_30 : vector<16xi32>
    %add3A_32 = arith.constant 16 : i32
    %add3A_33 = vector.broadcast %add3A_32 : i32 to vector<16xi32>
    %add3A_34 = arith.addi %broadcast_in_dim3A_27, %add3A_33 : vector<16xi32>
    %select_n3A = arith.select %lt3A_31, %add3A_34, %broadcast_in_dim3A_27 : vector<16xi1>, vector<16xi32>
    %reshape3A = vector.shape_cast %select_n3A : vector<16xi32> to vector<16x1xi32>
    %gather3A = vector.shape_cast %reshape3A : vector<16x1xi32> to vector<16xi32>
    %gather3A_35 = tpu.dynamic_gather %get3A_29[%gather3A] in [0] : vector<16xf32>, vector<16xi32> -> vector<16xf32>
    %get3A_36 = arith.constant 24 : index
    %get3A_37 = tpu.vector_load %arg8[%get3A_36] {strides = array<i32>} : memref<40xf32, #tpu.memory_space<vmem>>, vector<16xf32>,
    %get3A_38 = vector.shape_cast %get3A_37 : vector<16xf32> to vector<16xf32>
    %lt3A_39 = arith.constant 0 : i32
    %lt3A_40 = vector.broadcast %lt3A_39 : i32 to vector<16xi32>
    %lt3A_41 = arith.cmpi slt, %broadcast_in_dim3A_27, %lt3A_40 : vector<16xi32>
    %add3A_42 = arith.constant 16 : i32
    %add3A_43 = vector.broadcast %add3A_42 : i32 to vector<16xi32>
    %add3A_44 = arith.addi %broadcast_in_dim3A_27, %add3A_43 : vector<16xi32>
    %select_n3A_45 = arith.select %lt3A_41, %add3A_44, %broadcast_in_dim3A_27 : vector<16xi1>, vector<16xi32>
    %reshape3A_46 = vector.shape_cast %select_n3A_45 : vector<16xi32> to vector<16x1xi32>
    %gather3A_47 = vector.shape_cast %reshape3A_46 : vector<16x1xi32> to vector<16xi32>
    %gather3A_48 = tpu.dynamic_gather %get3A_38[%gather3A_47] in [0] : vector<16xf32>, vector<16xi32> -> vector<16xf32>
    %get3A_49 = arith.constant 0 : index
    %get3A_50 = tpu.vector_load %arg8[%get3A_49] {strides = array<i32>} : memref<40xf32, #tpu.memory_space<vmem>>, vector<16xf32>,
    %get3A_51 = vector.shape_cast %get3A_50 : vector<16xf32> to vector<16xf32>
    %mul3A_52 = arith.mulf %get3A_51, %gather3A_35 : vector<16xf32>
    %add3A_53 = arith.addf %mul3A_52, %gather3A_48 : vector<16xf32>
    %dma_wait3A_54 = tpu.memref_slice %arg2[%mul3A_2] : memref<16384xi32, #tpu.memory_space<hbm>> -> memref<1024xi32, #tpu.memory_space<hbm>>
    %dma_wait3A_55 = tpu.memref_slice %arg2[%mul3A_2] : memref<16384xi32, #tpu.memory_space<hbm>> -> memref<1024xi32, #tpu.memory_space<hbm>>
    tpu.wait_dma2 semaphore(%arg10 : memref<!tpu.dma_semaphore, #tpu.memory_space<semaphore_mem>>) src(%dma_wait3A_55 : memref<1024xi32, #tpu.memory_space<hbm>>) dst(%arg7 : memref<1024xi32, #tpu.memory_space<vmem>>)
    %parallel_loop3A = arith.constant 0 : i32
    %parallel_loop3A_56 = arith.constant 512 : i32
    %parallel_loop3A_57 = arith.constant 16 : i32
    scf.for %parallel_loop3A_87 = %parallel_loop3A to %parallel_loop3A_56 step %parallel_loop3A_57  : i32 {
      %parallel_loop3A_88 = arith.index_cast %parallel_loop3A_87 : i32 to index
      %parallel_loop3A_89 = tpu.vector_load %arg7[%parallel_loop3A_88] {strides = array<i32>} : memref<1024xi32, #tpu.memory_space<vmem>>, vector<16xi32>,
      %parallel_loop3A_90 = vector.shape_cast %parallel_loop3A_89 : vector<16xi32> to vector<16xi32>
      %parallel_loop3A_91 = arith.constant 0 : i32
      %parallel_loop3A_92 = vector.broadcast %parallel_loop3A_91 : i32 to vector<16xi32>
      %parallel_loop3A_93 = arith.cmpi slt, %parallel_loop3A_90, %parallel_loop3A_92 : vector<16xi32>
      %parallel_loop3A_94 = arith.constant 16 : i32
      %parallel_loop3A_95 = vector.broadcast %parallel_loop3A_94 : i32 to vector<16xi32>
      %parallel_loop3A_96 = arith.addi %parallel_loop3A_90, %parallel_loop3A_95 : vector<16xi32>
      %parallel_loop3A_97 = arith.select %parallel_loop3A_93, %parallel_loop3A_96, %parallel_loop3A_90 : vector<16xi1>, vector<16xi32>
      %parallel_loop3A_98 = vector.shape_cast %parallel_loop3A_97 : vector<16xi32> to vector<16x1xi32>
      %parallel_loop3A_99 = vector.shape_cast %parallel_loop3A_98 : vector<16x1xi32> to vector<16xi32>
      %parallel_loop3A_100 = tpu.dynamic_gather %add3A_53[%parallel_loop3A_99] in [0] : vector<16xf32>, vector<16xi32> -> vector<16xf32>
      %parallel_loop3A_101 = arith.index_cast %parallel_loop3A_87 : i32 to index
      %parallel_loop3A_102 = tpu.vector_load %arg9[%parallel_loop3A_101] {strides = array<i32>} : memref<1024xf32, #tpu.memory_space<vmem>>, vector<16xf32>,
      %parallel_loop3A_103 = vector.shape_cast %parallel_loop3A_102 : vector<16xf32> to vector<16xf32>
      %parallel_loop3A_104 = vector.shape_cast %parallel_loop3A_100 : vector<16xf32> to vector<16xf32>
      tpu.vector_store %arg9[%parallel_loop3A_101], %parallel_loop3A_104 {strides = array<i32>} : memref<1024xf32, #tpu.memory_space<vmem>>, vector<16xf32>,
    } {sc.loop_unroll_factor = 8 : i64, sc.parallel_access}
    %dma_start3A_58 = arith.constant 0 : i32
    %dma_start3A_59 = tpu.memref_slice %arg9[%dma_start3A_58] : memref<1024xf32, #tpu.memory_space<vmem>> -> memref<512xf32, #tpu.memory_space<vmem>>
    %dma_start3A_60 = tpu.memref_slice %arg6[%mul3A_2] : memref<16384xf32, #tpu.memory_space<hbm>> -> memref<512xf32, #tpu.memory_space<hbm>>
    %dma_start3A_61 = tpu.memref_slice %arg6[%mul3A_2] : memref<16384xf32, #tpu.memory_space<hbm>> -> memref<512xf32, #tpu.memory_space<hbm>>
    %dma_start3A_62 = arith.constant 0 : i32
    %dma_start3A_63 = tpu.memref_slice %arg9[%dma_start3A_62] : memref<1024xf32, #tpu.memory_space<vmem>> -> memref<512xf32, #tpu.memory_space<vmem>>
    tpu.enqueue_dma source(%dma_start3A_63 : memref<512xf32, #tpu.memory_space<vmem>>) target(%dma_start3A_61 : memref<512xf32, #tpu.memory_space<hbm>>) target_semaphore(%arg10 : memref<!tpu.dma_semaphore, #tpu.memory_space<semaphore_mem>>)
    %parallel_loop3A_64 = arith.constant 512 : i32
    %parallel_loop3A_65 = arith.constant 1024 : i32
    %parallel_loop3A_66 = arith.constant 16 : i32
    scf.for %parallel_loop3A_87 = %parallel_loop3A_64 to %parallel_loop3A_65 step %parallel_loop3A_66  : i32 {
      %parallel_loop3A_88 = arith.index_cast %parallel_loop3A_87 : i32 to index
      %parallel_loop3A_89 = tpu.vector_load %arg7[%parallel_loop3A_88] {strides = array<i32>} : memref<1024xi32, #tpu.memory_space<vmem>>, vector<16xi32>,
      %parallel_loop3A_90 = vector.shape_cast %parallel_loop3A_89 : vector<16xi32> to vector<16xi32>
      %parallel_loop3A_91 = arith.constant 0 : i32
      %parallel_loop3A_92 = vector.broadcast %parallel_loop3A_91 : i32 to vector<16xi32>
      %parallel_loop3A_93 = arith.cmpi slt, %parallel_loop3A_90, %parallel_loop3A_92 : vector<16xi32>
      %parallel_loop3A_94 = arith.constant 16 : i32
      %parallel_loop3A_95 = vector.broadcast %parallel_loop3A_94 : i32 to vector<16xi32>
      %parallel_loop3A_96 = arith.addi %parallel_loop3A_90, %parallel_loop3A_95 : vector<16xi32>
      %parallel_loop3A_97 = arith.select %parallel_loop3A_93, %parallel_loop3A_96, %parallel_loop3A_90 : vector<16xi1>, vector<16xi32>
      %parallel_loop3A_98 = vector.shape_cast %parallel_loop3A_97 : vector<16xi32> to vector<16x1xi32>
      %parallel_loop3A_99 = vector.shape_cast %parallel_loop3A_98 : vector<16x1xi32> to vector<16xi32>
      %parallel_loop3A_100 = tpu.dynamic_gather %add3A_53[%parallel_loop3A_99] in [0] : vector<16xf32>, vector<16xi32> -> vector<16xf32>
      %parallel_loop3A_101 = arith.index_cast %parallel_loop3A_87 : i32 to index
      %parallel_loop3A_102 = tpu.vector_load %arg9[%parallel_loop3A_101] {strides = array<i32>} : memref<1024xf32, #tpu.memory_space<vmem>>, vector<16xf32>,
      %parallel_loop3A_103 = vector.shape_cast %parallel_loop3A_102 : vector<16xf32> to vector<16xf32>
      %parallel_loop3A_104 = vector.shape_cast %parallel_loop3A_100 : vector<16xf32> to vector<16xf32>
      tpu.vector_store %arg9[%parallel_loop3A_101], %parallel_loop3A_104 {strides = array<i32>} : memref<1024xf32, #tpu.memory_space<vmem>>, vector<16xf32>,
    } {sc.loop_unroll_factor = 8 : i64, sc.parallel_access}
    %add3A_67 = arith.constant 512 : i32
    %add3A_68 = arith.addi %mul3A_2, %add3A_67 : i32
    %dma_start3A_69 = arith.constant 512 : i32
    %dma_start3A_70 = tpu.memref_slice %arg9[%dma_start3A_69] : memref<1024xf32, #tpu.memory_space<vmem>> -> memref<512xf32, #tpu.memory_space<vmem>>
    %dma_start3A_71 = tpu.memref_slice %arg6[%add3A_68] : memref<16384xf32, #tpu.memory_space<hbm>> -> memref<512xf32, #tpu.memory_space<hbm>>
    %dma_start3A_72 = tpu.memref_slice %arg6[%add3A_68] : memref<16384xf32, #tpu.memory_space<hbm>> -> memref<512xf32, #tpu.memory_space<hbm>>
    %dma_start3A_73 = arith.constant 512 : i32
    %dma_start3A_74 = tpu.memref_slice %arg9[%dma_start3A_73] : memref<1024xf32, #tpu.memory_space<vmem>> -> memref<512xf32, #tpu.memory_space<vmem>>
    tpu.enqueue_dma source(%dma_start3A_74 : memref<512xf32, #tpu.memory_space<vmem>>) target(%dma_start3A_72 : memref<512xf32, #tpu.memory_space<hbm>>) target_semaphore(%arg11 : memref<!tpu.dma_semaphore, #tpu.memory_space<semaphore_mem>>)
    %dma_wait3A_75 = arith.constant 0 : i32
    %dma_wait3A_76 = tpu.memref_slice %arg9[%dma_wait3A_75] : memref<1024xf32, #tpu.memory_space<vmem>> -> memref<512xf32, #tpu.memory_space<vmem>>
    %dma_wait3A_77 = tpu.memref_slice %arg6[%mul3A_2] : memref<16384xf32, #tpu.memory_space<hbm>> -> memref<512xf32, #tpu.memory_space<hbm>>
    %dma_wait3A_78 = tpu.memref_slice %arg6[%mul3A_2] : memref<16384xf32, #tpu.memory_space<hbm>> -> memref<512xf32, #tpu.memory_space<hbm>>
    %dma_wait3A_79 = arith.constant 0 : i32
    %dma_wait3A_80 = tpu.memref_slice %arg9[%dma_wait3A_79] : memref<1024xf32, #tpu.memory_space<vmem>> -> memref<512xf32, #tpu.memory_space<vmem>>
    tpu.wait_dma2 semaphore(%arg10 : memref<!tpu.dma_semaphore, #tpu.memory_space<semaphore_mem>>) src(%dma_wait3A_80 : memref<512xf32, #tpu.memory_space<vmem>>) dst(%dma_wait3A_78 : memref<512xf32, #tpu.memory_space<hbm>>)
    %dma_wait3A_81 = arith.constant 512 : i32
    %dma_wait3A_82 = tpu.memref_slice %arg9[%dma_wait3A_81] : memref<1024xf32, #tpu.memory_space<vmem>> -> memref<512xf32, #tpu.memory_space<vmem>>
    %dma_wait3A_83 = tpu.memref_slice %arg6[%add3A_68] : memref<16384xf32, #tpu.memory_space<hbm>> -> memref<512xf32, #tpu.memory_space<hbm>>
    %dma_wait3A_84 = tpu.memref_slice %arg6[%add3A_68] : memref<16384xf32, #tpu.memory_space<hbm>> -> memref<512xf32, #tpu.memory_space<hbm>>
    %dma_wait3A_85 = arith.constant 512 : i32
    %dma_wait3A_86 = tpu.memref_slice %arg9[%dma_wait3A_85] : memref<1024xf32, #tpu.memory_space<vmem>> -> memref<512xf32, #tpu.memory_space<vmem>>
    tpu.wait_dma2 semaphore(%arg11 : memref<!tpu.dma_semaphore, #tpu.memory_space<semaphore_mem>>) src(%dma_wait3A_86 : memref<512xf32, #tpu.memory_space<vmem>>) dst(%dma_wait3A_84 : memref<512xf32, #tpu.memory_space<hbm>>)
    return
  }
}

</mosaic_0001>

<sc_bundles>
// kernel: _run.3.cloned.1.call-start
scs
__scs_entry_jumppad:
0x0: {  	(pc) =	sbr.rel $0x88, $3  }
0x1: {  	(tag) =	ssettag $0x0;
	lr =	simm.s32 $0x1  }
0x2: {  	[smem:$0x3F9D] =	sst lr;
	_ =	strace $0xD0000000  }
0x3: {  	_ = 	snop  }
0x4: {  	_ = 	snop  }
0x5: {  	_ = 	snop  }
0x6: {  	_ = 	snop  }
0x7: {  	_ = 	snop  }
__scs_overlays_trampoline_lowered:
0x8: {  	[smem:$0x3FAC] =	sst s0  }
0x9: {  	[smem:$0x3FAD] =	sst s1  }
0xa: {  	[smem:$0x3FAE] =	sst s2  }
0xb: {  	[smem:$0x3FAF] =	sst s3  }
0xc: {  	[smem:$0x3FB0] =	sst s4  }
0xd: {  	[smem:$0x3FB1] =	sst s5  }
0xe: {  	[smem:$0x3FB2] =	sst s6  }
0xf: {  	[smem:$0x3FB3] =	sst s7  }
0x10: {  	[smem:$0x3FB4] =	sst s8  }
0x11: {  	[smem:$0x3FB5] =	sst s9;
	s0 =	simm.s32 @!p0 $0x0  }
0x12: {  	s1 =	sld [smem:$0x3F9B];
	s0 =	simm.s32 @p0 $0x1  }
0x13: {  	[smem:$0x3FB6] =	sst s0;
	s0 =	simm.s32 @!p1 $0x0  }
0x14: {  	s2 =	sld [smem:$0x3F9A];
	s0 =	simm.s32 @p1 $0x1  }
0x15: {  	[smem:$0x3FB7] =	sst s0;
	s0 =	simm.s32 @!p2 $0x0  }
0x16: {  	s3 =	sld [smem:$0x3FDB];
	s0 =	simm.s32 @p2 $0x1  }
0x17: {  	s4 =	simm.s32 $0x1BF5;
	[smem:$0x3FB9] =	sst s0  }
0x18: {  	s0 =	sld [smem:$0x3F9C];
	_ =	swait.ge [sflag:s4], $0x0  }
0x19: {  	s7 =	sld [smem:$0x3F9D]  }
0x1a: {  	s8 =	sadd.s32 $0xFFFFE003, lr  }
0x1b: {  	s9 =	sadd.s32 $0xFFFFFEF7, lr;
	s5 =	simm.s32 $0xFFFFFFFF;
	p2 =	slt.u32 s8, $0xFFFFF086  }
0x1c: {  	p1 =	slt.u32 s9, $0xF7A;
	s5 =	simm.s32 @!p2 $0x0  }
0x1d: {  	s5 =	simm.s32 @p1 $0x1;
	p0 =	seq.s32 s7, s2  }
0x1e: {  	s7 =	smul.u32 @!p0 $0xF7A, s2;
	p2 =	seq.s32 @!p0 s5, $0x0  }
0x1f: {  	s9 =	smul.u32 $0xF7A, s1;
	s8 =	simm.s32 @!p0 $0x1BF5;
	p2 =	por !p2, p0  }
0x20: {  	[sflag:s8] =	ssyncset.s32 @!p0 $0xFFFFF086;
	s6 =	sadd.s32 @!p0 s3, s7;
	s7 =	simm.s32 @!p0 $0x108  }
0x21: {  	s3 =	sadd.s32 s3, s9;
	s6 =	sadd.s32 @!p0 $0x88, s6;
	s7 =	simm.s32 @p2 $0x1082  }
0x22: {  	[simem:s7], [sflag:s8] =	dma.local @!p0 [hbm:s6], $0xF7A  }
0x23: {  	s9 =	sor.u32 $0xD0000000, s2;
	s6 =	simm.s32 $0x108;
	_ =	swait.ge @!p0 [sflag:s8], $0x0  }
0x24: {  	s3 =	sadd.s32 $0x88, s3;
	s6 =	simm.s32 @!p1 $0x1082;
	[sflag:s4] =	ssyncset.s32 $0xFFFFF086  }
0x25: {  	[simem:s6], [sflag:s4] =	dma.local [hbm:s3], $0xF7A  }
0x26: {  	[smem:$0x3F9D] =	sst s1;
	(tag) =	ssettag s2;
	_ =	strace s9  }
0x27: {  	s1 =	sld [smem:$0x3FAD]  }
0x28: {  	s2 =	sld [smem:$0x3FAE]  }
0x29: {  	s4 =	sld [smem:$0x3FB0]  }
0x2a: {  	p0 =	seq.s32 s5, $0x0;
	s5 =	sld [smem:$0x3FB1]  }
0x2b: {  	s6 =	sld [smem:$0x3FB2]  }
0x2c: {  	s7 =	sld [smem:$0x3FB3]  }
0x2d: {  	s3 =	simm.s32 $0x108;
	s8 =	sld [smem:$0x3FB4]  }
0x2e: {  	s3 =	simm.s32 @!p0 $0x1082;
	s9 =	sld [smem:$0x3FB5]  }
0x2f: {  	lr =	sadd.s32 s0, s3;
	s0 =	sld [smem:$0x3FAC]  }
0x30: {  	s3 =	sld [smem:$0x3FAF]  }
0x31: {  	[smem:$0x3FB8] =	sst s10  }
0x32: {  	s10 =	sld [smem:$0x3FB6];
	_ =	sdelay $0x3  }
0x33: {  	p0 =	seq.s32 s10, $0x1;
	s10 =	sld [smem:$0x3FB8];
	_ =	sdelay $0x3  }
0x34: {  	[smem:$0x3FB8] =	sst s10  }
0x35: {  	s10 =	sld [smem:$0x3FB7];
	_ =	sdelay $0x3  }
0x36: {  	p1 =	seq.s32 s10, $0x1;
	s10 =	sld [smem:$0x3FB8];
	_ =	sdelay $0x3  }
0x37: {  	[smem:$0x3FB8] =	sst s10  }
0x38: {  	s10 =	sld [smem:$0x3FB9]  }
0x39: {  	_ = 	snop;
	(pc) =	sbr.ind lr, $3  }
0x3a: {  	_ = 	snop  }
0x3b: {  	_ = 	snop  }
0x3c: {  	p2 =	seq.s32 s10, $0x1;
	s10 =	sld [smem:$0x3FB8]  }
0x3d: {  	_ =	shalt  }
0x3e: {  	_ =	shalt  }
0x3f: {  	_ =	shalt  }
0x40: {  	_ =	shalt  }
0x41: {  	_ =	shalt  }
0x42: {  	_ =	shalt  }
0x43: {  	_ =	shalt  }
0x44: {  	_ =	shalt  }
0x45: {  	_ =	shalt  }
0x46: {  	_ =	shalt  }
0x47: {  	_ =	shalt  }
0x48: {  	_ =	shalt  }
0x49: {  	_ =	shalt  }
0x4a: {  	_ =	shalt  }
0x4b: {  	_ =	shalt  }
0x4c: {  	_ =	shalt  }
0x4d: {  	_ =	shalt  }
0x4e: {  	_ =	shalt  }
0x4f: {  	_ =	shalt  }
0x50: {  	_ =	shalt  }
0x51: {  	_ =	shalt  }
0x52: {  	_ =	shalt  }
0x53: {  	_ =	shalt  }
0x54: {  	_ =	shalt  }
0x55: {  	_ =	shalt  }
0x56: {  	_ =	shalt  }
0x57: {  	_ =	shalt  }
0x58: {  	_ =	shalt  }
0x59: {  	_ =	shalt  }
0x5a: {  	_ =	shalt  }
0x5b: {  	_ =	shalt  }
0x5c: {  	_ =	shalt  }
0x5d: {  	_ =	shalt  }
0x5e: {  	_ =	shalt  }
0x5f: {  	_ =	shalt  }
0x60: {  	_ =	shalt  }
0x61: {  	_ =	shalt  }
0x62: {  	_ =	shalt  }
0x63: {  	_ =	shalt  }
0x64: {  	_ =	shalt  }
0x65: {  	_ =	shalt  }
0x66: {  	_ =	shalt  }
0x67: {  	_ =	shalt  }
0x68: {  	_ =	shalt  }
0x69: {  	_ =	shalt  }
0x6a: {  	_ =	shalt  }
0x6b: {  	_ =	shalt  }
0x6c: {  	_ =	shalt  }
0x6d: {  	_ =	shalt  }
0x6e: {  	_ =	shalt  }
0x6f: {  	_ =	shalt  }
0x70: {  	_ =	shalt  }
0x71: {  	_ =	shalt  }
0x72: {  	_ =	shalt  }
0x73: {  	_ =	shalt  }
0x74: {  	_ =	shalt  }
0x75: {  	_ =	shalt  }
0x76: {  	_ =	shalt  }
0x77: {  	_ =	shalt  }
0x78: {  	_ =	shalt  }
0x79: {  	_ =	shalt  }
0x7a: {  	_ =	shalt  }
0x7b: {  	_ =	shalt  }
0x7c: {  	_ =	shalt  }
0x7d: {  	_ =	shalt  }
0x7e: {  	_ =	shalt  }
0x7f: {  	_ =	shalt  }
0x80: {  	_ =	shalt  }
0x81: {  	_ =	shalt  }
0x82: {  	_ =	shalt  }
0x83: {  	_ =	shalt  }
0x84: {  	_ =	shalt  }
0x85: {  	_ =	shalt  }
0x86: {  	_ =	shalt  }
0x87: {  	_ =	shalt  }
.Lfunc_end0:
.L_simem_size_0:
called_computation_lowered:
.L_overlay_start_0:
0x88: {  	s0 =	sld [smem:$0x3FD9]  }
0x89: {  	s1 =	sld [smem:$0x3FFE];
	_ =	sdelay $0x3  }
0x8a: {  	s0 =	sadd.s32 s1, s0  }
0x8b: {  	[smem:$0x3FC4] =	sst s0  }
0x8c: {  	_ = 	snop  }
0x8d: {  	s0 =	sld [smem:$0x3FC9]  }
0x8e: {  	s17 =	sld [smem:$0x3FC8]  }
0x8f: {  	s2 =	sld [smem:$0x3FC7]  }
0x90: {  	s3 =	sld [smem:$0x3FC6]  }
0x91: {  	s4 =	sld [smem:$0x3FD0];
	(tm) =	ssettm $0x1  }
0x92: {  	s5 =	sld [smem:$0x3FFB];
	_ =	sdelay $0x3  }
0x93: {  	_ =	strace s5  }
0x94: {  	s5 =	sld [smem:$0x3FFC];
	_ =	sdelay $0x3  }
0x95: {  	_ =	strace s5  }
0x96: {  	s5 =	sld [smem:$0x3FFD];
	_ =	sdelay $0x3  }
0x97: {  	_ =	strace s5  }
0x98: {  	_ =	strace $0x8FFFFFFF  }
0x99: {  	s18 =	sld [smem:$0x3FDB];
	_ =	sdelay $0x1  }
0x9a: {  	s6 =	simm.s32 $_scs_section_size  }
0x9b: {  	s7 =	simm.s32 $_size__tile_overlayer_lowered;
	s8 =	simm.s32 $_tile_overlayer_lowered  }
0x9c: {  	s21 =	simm.s32 $0x1BFF;
	s20 =	sshll.u32 s8, $0x1;
	s5 =	sadd.s32 s6, s18  }
0x9d: {  	s9 =	simm.s32 $0x0;
	s19 =	sshll.u32 s7, $0x1;
	s7 =	sadd.s32 s20, s5  }
0x9e: {  	[timem:s9], [sflag:s21] =	dma.local [hbm:s7], s19  }
0x9f: {  	_ =	swait.ge [sflag:s21], s19  }
0xa0: {  	s6 =	ssub.s32 $0x0, s19;
	[sflag:s21] =	ssyncset.done $0x0  }
0xa1: {  	[sflag:s21] =	ssyncadd.s32 s6;
	_ =	sdelay $0x1  }
0xa2: {  	s22 =	simm.s32 $0x1B8B  }
0xa3: {  	_ =	swait.ge [sflag:s22], $0x1  }
0xa4: {  	[sflag:s22] =	ssyncset.done $0x0  }
0xa5: {  	s23 =	simm.s32 $0x1B8E;
	[sflag:s22] =	ssyncadd.s32 $0xFFFFFFFF  }
0xa6: {  	s24 =	simm.s32 $execute0_lowered;
	[smem:$0x3FD2] =	sst s23  }
0xa7: {  	s6 =	sshll.u32 s24, $0x1;
	_ =	strace $0x80000046;
	[dreg:$0x1] =	wrdreg $0xFFFFFFFF  }
0xa8: {  	s25 =	simm.s32 $_size_execute0_lowered;
	s5 =	sadd.s32 s5, s6;
	[dreg:$0x0] =	wrdreg $0x0  }
0xa9: {  	s6 =	sshll.u32 s25, $0x1;
	[dreg:$0x2] =	wrdreg s5  }
0xaa: {  	[dreg:$0x3] =	wrdreg s6  }
0xab: {  	[dreg:$0x4] =	wrdreg $0xC0  }
0xac: {  	_ =	task [dreg:s9], $0x5FFFF  }
0xad: {  	[dreg:$0x1] =	wrdreg $0xFFFFFFFF  }
0xae: {  	[dreg:$0x0] =	wrdreg $0x60  }
0xaf: {  	[dreg:$0x2] =	wrdreg s0  }
0xb0: {  	[dreg:$0x3] =	wrdreg s17  }
0xb1: {  	[dreg:$0x4] =	wrdreg s2  }
0xb2: {  	[dreg:$0x5] =	wrdreg s3  }
0xb3: {  	[dreg:$0x6] =	wrdreg s4  }
0xb4: {  	[dreg:$0x7] =	wrdreg $0x9  }
0xb5: {  	_ =	task.clear_ibuf [dreg:s9], $0x8FFFF;
	_ =	strace $0x90000046  }
0xb6: {  	s26 =	simm.s32 $0x9;
	_ =	strace $0x80000048  }
0xb7: {  	_ =	swait.ge [sflag:s26], $0x1  }
0xb8: {  	[sflag:s26] =	ssyncadd.s32 $0xFFFFFFFF  }
0xb9: {  	_ =	strace $0x90000048  }
0xba: {  	_ =	sfence  }
0xbb: {  	s28 =	sld [smem:$0x0];
	_ =	sdelay $0x1  }
0xbc: {  	s29 =	srdreg.scid  }
0xbd: {  	s30 =	sshll.u32 s29, $0xD;
	s31 =	sshrl.u32 s29, $0x2  }
0xbe: {  	s1 =	sand.u32 $0x1, s29;
	s2 =	sand.u32 $0x4000, s30;
	s0 =	sadd.s32 s31, s28  }
0xbf: {  	s1 =	sor.u32 s2, s1;
	s0 =	sshll.u32 s0, $0x11  }
0xc0: {  	s0 =	sor.u32 s0, s1  }
0xc1: {  	s0 =	sadd.s32 $0x8F2B, s0  }
0xc2: {  	[sflag:s0] =	ssyncadd.remote.s32 $0x1  }
0xc3: {  	_ =	sfence.sel $0xFFFF  }
0xc4: {  	[dreg:$0x0] =	wrdreg $0xFFFFFFFF;
	(pc) =	sbr.abs _section_cstart, $3  }
0xc5: {  	[dreg:$0x1] =	wrdreg $0xFFFFFFFF  }
0xc6: {  	_ =	task.clear_ibuf [dreg:s9], $0x2FFFF;
	_ =	strace $0x9FFFFFFF  }
0xc7: {  	(tm) =	ssettm $0x7FFFFFFF  }
tec
execute0_lowered:
.L_overlay_start_1:
0x0: {  	(tag) =	ssettag $0x1  }
0x1: {  	s4 =	rddreg [dreg:$0x0]  }
0x2: {  	s5 =	rddreg [dreg:$0x1]  }
0x3: {  	s6 =	rddreg [dreg:$0x2]  }
0x4: {  	s7 =	rddreg [dreg:$0x3]  }
0x5: {  	s2 =	rddreg [dreg:$0x4];
	s8 =	simm.s32 $0x0;
	s1 =	stileid.u32  }
0x6: {  	[smem:$0x7FF] =	sst s8;
	s3 =	sshll.u32 s1, $0x7  }
0x7: {  	s0 =	rddreg [dreg:$0x5];
	_ =	strace $0x80000047;
	s4 =	sadd.s32 s4, s3  }
0x8: {  	[tilespmem:s8], [sflag:$0x1] =	stream.linear.gather [hbm4b:s4+s8], $0x400, $0x38;
	[tilespmem:$0x880] =	vst v63  }
0x9: {  	s25 =	simm.s32 $0x400  }
0xa: {  	[tilespmem:s25], [sflag:$0x2] =	stream.linear.gather [hbm4b:s5+s8], $0xA, $0x38;
	[tilespmem:$0x880] =	vst v63  }
0xb: {  	s26 =	simm.s32 $0x410  }
0xc: {  	[tilespmem:s26], [sflag:$0x2] =	stream.linear.gather [hbm4b:s6+s8], $0x1, $0x38;
	[tilespmem:$0x880] =	vst v63  }
0xd: {  	s28 =	simm.s32 $0x418;
	s29 =	simm.s32 $0x2  }
0xe: {  	[tilespmem:s28], [sflag:$0x2] =	stream.linear.gather [hbm4b:s7+s8], $0x1, $0x38;
	[tilespmem:$0x880] =	vst v63  }
0xf: {  	_ =	swait.ge [sflag:s29], $0xA  }
0x10: {  	[sflag:s29] =	ssyncset.done $0x0  }
0x11: {  	[sflag:s29] =	ssyncadd.s32 $0xFFFFFFF6  }
0x12: {  	_ =	swait.ge [sflag:s29], $0x1  }
0x13: {  	[sflag:s29] =	ssyncset.done $0x0  }
0x14: {  	[sflag:s29] =	ssyncadd.s32 $0xFFFFFFFF  }
0x15: {  	_ =	swait.ge [sflag:s29], $0x1  }
0x16: {  	[sflag:s29] =	ssyncset.done $0x0  }
0x17: {  	[sflag:s29] =	ssyncadd.s32 $0xFFFFFFFF  }
0x18: {  	v0 =	vld [tilespmem:$0x410]  }
0x19: {  	v1 =	vld [tilespmem:$0x418]  }
0x1a: {  	s30 =	simm.s32 $0x1;
	v2 =	vld [tilespmem:$0x400]  }
0x1b: {  	_ =	swait.ge [sflag:s30], $0x400  }
0x1c: {  	v3 =	vimm.s32 $0x0;
	[sflag:s30] =	ssyncset.done $0x0  }
0x1d: {  	s31 =	simm.s32 $0x40;
	[sflag:s30] =	ssyncadd.s32 $0xFFFFFC00;
	v0 =	vperm.xlane v0, v3  }
0x1e: {  	v5 =	vld [tilespmem:s31+$0x30]  }
0x1f: {  	v6 =	vld [tilespmem:s31+$0xFFFFFFD0];
	v1 =	vperm.xlane v1, v3;
	v0 =	vmul.f32 v2, v0  }
0x20: {  	v7 =	vld [tilespmem:s31+$0xFFFFFFE0]  }
0x21: {  	v4 =	vld [tilespmem:s31+$0xFFFFFFF0];
	v0 =	vadd.f32 v0, v1  }
0x22: {  	v2 =	vld [tilespmem:s31+$0x0]  }
0x23: {  	v1 =	vld [tilespmem:s31+$0x10];
	v8 =	vperm.xlane v0, v5  }
0x24: {  	s4 =	simm.s32 $0x4C0;
	v3 =	vld [tilespmem:s31+$0x20];
	v6 =	vperm.xlane v0, v6  }
0x25: {  	s5 =	simm.s32 $0x0;
	s6 =	simm.s32 $0xC0;
	v5 =	vld [tilespmem:s31+$0xFFFFFFC0];
	v7 =	vperm.xlane v0, v7;
	[tilespmem:s4+$0x30] =	vst v8  }
.LBB2_1:
0x26: {  	v8 =	vld [tilespmem:s6+$0x30];
	s5 =	sadd.s32 $0x80, s5;
	[tilespmem:s4+$0xFFFFFFD0] =	vst v6;
	v4 =	vperm.xlane v0, v4  }
0x27: {  	v6 =	vld [tilespmem:s6+$0xFFFFFFD0];
	p0 =	slt.u32 s5, $0x180;
	[tilespmem:s4+$0xFFFFFFE0] =	vst v7;
	v2 =	vperm.xlane v0, v2  }
0x28: {  	v7 =	vld [tilespmem:s6+$0xFFFFFFE0];
	[tilespmem:s4+$0xFFFFFFF0] =	vst v4;
	v1 =	vperm.xlane v0, v1  }
.Ltmp0:
0x29: {  	v4 =	vld [tilespmem:s6+$0xFFFFFFF0];
	[tilespmem:s4+$0x0] =	vst v2;
	v3 =	vperm.xlane v0, v3;
	(pc) =	sbr.rel @p0 .LBB2_1-.Ltmp0, $4  }
0x2a: {  	v2 =	vld [tilespmem:s6+$0x0];
	v5 =	vperm.xlane v0, v5;
	[tilespmem:s4+$0x10] =	vst v1  }
0x2b: {  	v1 =	vld [tilespmem:s6+$0x10];
	v8 =	vperm.xlane v0, v8;
	[tilespmem:s4+$0x20] =	vst v3  }
0x2c: {  	v6 =	vperm.xlane v0, v6;
	v3 =	vld [tilespmem:s6+$0x20];
	[tilespmem:s4+$0xFFFFFFC0] =	vst v5;
	s4 =	sadd.s32 $0x80, s4  }
0x2d: {  	v5 =	vld [tilespmem:s6+$0xFFFFFFC0];
	v7 =	vperm.xlane v0, v7;
	[tilespmem:s4+$0x30] =	vst v8;
	s6 =	sadd.s32 $0x80, s6  }
0x2e: {  	[tilespmem:s4+$0xFFFFFFD0] =	vst v6;
	v4 =	vperm.xlane v0, v4  }
0x2f: {  	[tilespmem:s4+$0xFFFFFFE0] =	vst v7;
	v2 =	vperm.xlane v0, v2  }
0x30: {  	[tilespmem:s4+$0xFFFFFFF0] =	vst v4;
	v1 =	vperm.xlane v0, v1  }
0x31: {  	[tilespmem:s4+$0x0] =	vst v2;
	v2 =	vperm.xlane v0, v3  }
0x32: {  	v3 =	vperm.xlane v0, v5;
	[tilespmem:s4+$0x10] =	vst v1  }
0x33: {  	s30 =	sadd.s32 s2, s3;
	[tilespmem:s4+$0x20] =	vst v2  }
0x34: {  	s5 =	simm.s32 $0x0;
	s6 =	simm.s32 $0x480;
	s31 =	simm.s32 $0x270;
	[tilespmem:s4+$0xFFFFFFC0] =	vst v3  }
0x35: {  	[hbm4b:s30+s5] =	stream.linear.scatter [tilespmem:s6], [sflag:$0x1], $0x200, $0x38;
	[tilespmem:$0x880] =	vst v63  }
0x36: {  	v3 =	vld [tilespmem:s31+$0x0]  }
0x37: {  	v5 =	vld [tilespmem:s31+$0xFFFFFFA0]  }
0x38: {  	v7 =	vld [tilespmem:s31+$0xFFFFFFB0]  }
0x39: {  	v4 =	vld [tilespmem:s31+$0xFFFFFFC0]  }
0x3a: {  	v2 =	vld [tilespmem:s31+$0xFFFFFFD0]  }
0x3b: {  	v1 =	vld [tilespmem:s31+$0xFFFFFFE0];
	v8 =	vperm.xlane v0, v3  }
0x3c: {  	s4 =	simm.s32 $0x6F0;
	v3 =	vld [tilespmem:s31+$0xFFFFFFF0];
	v6 =	vperm.xlane v0, v5  }
0x3d: {  	s5 =	simm.s32 $0x200;
	s6 =	simm.s32 $0x2F0;
	v5 =	vld [tilespmem:s31+$0xFFFFFF90];
	v7 =	vperm.xlane v0, v7;
	[tilespmem:s4+$0x0] =	vst v8  }
.LBB2_3:
0x3e: {  	v8 =	vld [tilespmem:s6+$0x0];
	s5 =	sadd.s32 $0x80, s5;
	[tilespmem:s4+$0xFFFFFFA0] =	vst v6;
	v4 =	vperm.xlane v0, v4  }
0x3f: {  	v6 =	vld [tilespmem:s6+$0xFFFFFFA0];
	p0 =	slt.u32 s5, $0x380;
	[tilespmem:s4+$0xFFFFFFB0] =	vst v7;
	v2 =	vperm.xlane v0, v2  }
0x40: {  	v7 =	vld [tilespmem:s6+$0xFFFFFFB0];
	[tilespmem:s4+$0xFFFFFFC0] =	vst v4;
	v1 =	vperm.xlane v0, v1  }
.Ltmp1:
0x41: {  	v4 =	vld [tilespmem:s6+$0xFFFFFFC0];
	[tilespmem:s4+$0xFFFFFFD0] =	vst v2;
	v3 =	vperm.xlane v0, v3;
	(pc) =	sbr.rel @p0 .LBB2_3-.Ltmp1, $4  }
0x42: {  	v2 =	vld [tilespmem:s6+$0xFFFFFFD0];
	v5 =	vperm.xlane v0, v5;
	[tilespmem:s4+$0xFFFFFFE0] =	vst v1  }
0x43: {  	v1 =	vld [tilespmem:s6+$0xFFFFFFE0];
	v8 =	vperm.xlane v0, v8;
	[tilespmem:s4+$0xFFFFFFF0] =	vst v3  }
0x44: {  	v6 =	vperm.xlane v0, v6;
	v3 =	vld [tilespmem:s6+$0xFFFFFFF0];
	[tilespmem:s4+$0xFFFFFF90] =	vst v5;
	s4 =	sadd.s32 $0x80, s4  }
0x45: {  	v5 =	vld [tilespmem:s6+$0xFFFFFF90];
	v7 =	vperm.xlane v0, v7;
	[tilespmem:s4+$0x0] =	vst v8;
	s6 =	sadd.s32 $0x80, s6  }
0x46: {  	[tilespmem:s4+$0xFFFFFFA0] =	vst v6;
	v4 =	vperm.xlane v0, v4  }
0x47: {  	[tilespmem:s4+$0xFFFFFFB0] =	vst v7;
	v2 =	vperm.xlane v0, v2  }
0x48: {  	[tilespmem:s4+$0xFFFFFFC0] =	vst v4;
	v1 =	vperm.xlane v0, v1  }
0x49: {  	[tilespmem:s4+$0xFFFFFFD0] =	vst v2;
	v62 =	vperm.xlane v0, v3  }
0x4a: {  	v63 =	vperm.xlane v0, v5;
	[tilespmem:s4+$0xFFFFFFE0] =	vst v1  }
0x4b: {  	s2 =	sadd.s32 s3, s2;
	s28 =	simm.s32 $0x0;
	[tilespmem:s4+$0xFFFFFFF0] =	vst v62  }
0x4c: {  	s29 =	simm.s32 $0x680;
	s30 =	simm.s32 $0x1;
	s2 =	sadd.s32 $0x40, s2;
	[tilespmem:s4+$0xFFFFFF90] =	vst v63  }
0x4d: {  	[hbm4b:s2+s28] =	stream.linear.scatter [tilespmem:s29], [sflag:$0x2], $0x200, $0x38;
	[tilespmem:$0x880] =	vst v63  }
0x4e: {  	_ =	swait.ge [sflag:s30], $0x200  }
0x4f: {  	[sflag:s30] =	ssyncset.done $0x0  }
0x50: {  	s31 =	simm.s32 $0x2;
	[sflag:s30] =	ssyncadd.s32 $0xFFFFFE00  }
0x51: {  	_ =	swait.ge [sflag:s31], $0x200  }
0x52: {  	[sflag:s31] =	ssyncset.done $0x0  }
0x53: {  	[sflag:s31] =	ssyncadd.s32 $0xFFFFFE00  }
0x54: {  	_ =	sfence.sel $0x180000  }
0x55: {  	[bflag:$0x0] =	sbarrier.arrive $0xFFFF  }
0x56: {  	p0 =	sne.s32 s1, $0x0;
	_ =	strace $0x90000047  }
0x57: {  	s0 =	sadd.s32 @!p0 $0x100000, s0;
	[bflag:$0x2] =	sbarrier.arrive $0xFFFF  }
0x58: {  	[sflag:s0] =	ssyncadd.tile.s32 @!p0 $0x1;
	_ =	shalt  }
.Lfunc_end2:
_tile_overlayer_lowered:
.L_overlay_start_2:
0x59: {  	(tag) =	ssettag $0x2  }
0x5a: {  	s0 =	rddreg [dreg:$0x0];
	s2 =	stileid.u32  }
0x5b: {  	s1 =	rddreg [dreg:$0x1];
	p0 =	sne.s32 s2, $0x0  }
0x5c: {  	s3 =	rddreg [dreg:$0x2];
	[bflag:$0x3] =	sbarrier.arrive $0xFFFF;
	s2 =	simm.s32 @!p0 $0x1C03  }
0x5d: {  	[timem:s3], [sflag:s2] =	dma.local @!p0 [hbm:s0], s1  }
0x5e: {  	s0 =	simm.s32 @!p0 $0x3  }
0x5f: {  	_ =	swait.ge @!p0 [sflag:s0], s1  }
0x60: {  	s1 =	ssub.s32 @!p0 $0x0, s1;
	[sflag:s0] =	ssyncset.done @!p0 $0x0  }
0x61: {  	[sflag:s0] =	ssyncadd.s32 @!p0 s1  }
0x62: {  	[bflag:$0x3] =	sbarrier.arrive $0xFFFF  }
0x63: {  	_ =	shalt  }

</sc_bundles>
